<compile_context>
chip_gen: v7x
topology: tpu7x:2x2x1
jax: 0.10.2.dev20260603
libtpu: 0.0.44.dev20260713+nightly
codegen_flags: <defaults>
</compile_context>

<pallas_src>
import functools

import jax
import jax.numpy as jnp
from jax import lax
from jax.experimental import pallas as pl
from jax.experimental.pallas import tpu as pltpu
from jax.experimental.pallas import tpu_sc as plsc

N, E, D = 10000, 320000, 128
NC, NS = 2, 16
NW = NC * NS
CHUNK = 128
NCHUNKS = 79
EW = NCHUNKS * CHUNK
E_PAD = EW * NW
N_PAD = 10240
ROWS_PER_SUB = N_PAD // NS
NDUMMY = N_PAD - N - 8


def _sc_aggregate(x, src_slab, dst_slab):
    mesh = plsc.VectorSubcoreMesh(core_axis_name="c", subcore_axis_name="s")

    @functools.partial(
        pl.kernel,
        out_type=jax.ShapeDtypeStruct((NC, N_PAD, D), jnp.float32),
        mesh=mesh,
        scratch_types=[
            pltpu.VMEM((NCHUNKS, CHUNK), jnp.int32),
            pltpu.VMEM((NCHUNKS, CHUNK), jnp.int32),
            pltpu.VMEM((CHUNK, D), jnp.float32),
            pltpu.VMEM_SHARED((N_PAD, D), jnp.float32),
            pltpu.SemaphoreType.DMA,
        ],
    )
    def body(x_hbm, src_hbm, dst_hbm, out_hbm, src_v, dst_v, rows, agg_sh, gsem):
        core = lax.axis_index("c")
        sid = lax.axis_index("s")

        def zero_row(r, _):
            for cc in range(D // 16):
                rows[r, pl.ds(cc * 16, 16)] = jnp.zeros((16,), jnp.float32)
            return 0

        lax.fori_loop(0, CHUNK, zero_row, 0)
        for t in range(ROWS_PER_SUB // CHUNK):
            pltpu.sync_copy(rows, agg_sh.at[pl.ds(sid * ROWS_PER_SUB + t * CHUNK, CHUNK)])

        pltpu.sync_copy(src_hbm.at[core, sid], src_v)
        pltpu.sync_copy(dst_hbm.at[core, sid], dst_v)

        plsc.subcore_barrier()

        def chunk_body(j, _):
            pltpu.async_copy(x_hbm.at[src_v.at[j]], rows, gsem).wait()
            pltpu.sync_copy(rows, agg_sh.at[dst_v.at[j]], add=True)
            return 0

        lax.fori_loop(0, NCHUNKS, chunk_body, 0)

        plsc.subcore_barrier()

        pltpu.sync_copy(
            agg_sh.at[pl.ds(sid * ROWS_PER_SUB, ROWS_PER_SUB)],
            out_hbm.at[core, pl.ds(sid * ROWS_PER_SUB, ROWS_PER_SUB)],
        )

    return body(x, src_slab, dst_slab)


def _tc_linear(x, agg0, agg1, w, b2):
    BLK = 2000

    def body(x_ref, a0_ref, a1_ref, w_ref, b_ref, out_ref):
        h = x_ref[...] + a0_ref[...] + a1_ref[...]
        acc = lax.dot_general(
            h, w_ref[...], (((1,), (1,)), ((), ())),
            preferred_element_type=jnp.float32,
        )
        out_ref[...] = acc + b_ref[...]

    return pl.pallas_call(
        body,
        grid=(N // BLK,),
        in_specs=[
            pl.BlockSpec((BLK, D), lambda i: (i, 0)),
            pl.BlockSpec((BLK, D), lambda i: (i, 0)),
            pl.BlockSpec((BLK, D), lambda i: (i, 0)),
            pl.BlockSpec((D, D), lambda i: (0, 0)),
            pl.BlockSpec((1, D), lambda i: (0, 0)),
        ],
        out_specs=pl.BlockSpec((BLK, D), lambda i: (i, 0)),
        out_shape=jax.ShapeDtypeStruct((N, D), jnp.float32),
    )(x, agg0, agg1, w, b2)


@jax.jit
def kernel(node_inputs, edge_index, W, b):
    src = edge_index[0].astype(jnp.int32)
    dst = edge_index[1].astype(jnp.int32)
    pad = E_PAD - E
    src_p = jnp.concatenate([src, jnp.zeros((pad,), jnp.int32)])
    dummy = N + jnp.arange(pad, dtype=jnp.int32) % NDUMMY
    dst_p = jnp.concatenate([dst, dummy])
    src_slab = src_p.reshape(NC, NS, NCHUNKS, CHUNK)
    dst_slab = dst_p.reshape(NC, NS, NCHUNKS, CHUNK)

    agg = _sc_aggregate(node_inputs, src_slab, dst_slab)
    return _tc_linear(node_inputs, agg[0], agg[1], W, b.reshape(1, D))

# --- scband reference (transcript-rebuilt; emitter-appended) ---
"""Pipeline reference for scband-gin-2834678415936 (READ-ONLY COPY).

The authoritative reference and input builder live on the scoring server;
editing this copy changes nothing except your own understanding.
"""

import jax, jax.numpy as jnp
import numpy as np

N, E, DIN, DOUT = 10000, 320000, 128, 128

def setup_inputs(seed: int = 0) -> dict:
    key = jax.random.key(seed)
    k1, k2, k3, k4 = jax.random.split(key, 4)
    node_inputs = jax.random.normal(k1, (N, DIN), dtype=jnp.float32)
    edge_index = jax.random.randint(k2, (2, E), 0, N)
    W = jax.random.normal(k3, (DOUT, DIN), dtype=jnp.float32) * 0.05
    b = jax.random.normal(k4, (DOUT,), dtype=jnp.float32) * 0.05
    return {"node_inputs": node_inputs, "edge_index": edge_index, "W": W, "b": b}

def reference(node_inputs, edge_index, W, b):
    # DGL GINConv with apply_func=Linear, default aggregator 'sum', eps=0 (not learned):
    #   h_i = Linear((1 + eps) * x_i + sum_{j in N(i)} x_j)
    src = edge_index[0]
    dst = edge_index[1]
    msgs = jnp.take(node_inputs, src, axis=0)            # gather: [E, DIN]
    agg = jax.ops.segment_sum(msgs, dst, num_segments=N)  # scatter-add: [N, DIN]
    h = node_inputs + agg                                 # (1 + 0) * x + agg
    out = h @ W.T + b
    return out

if __name__ == "__main__":
    import jax
    _d = setup_inputs()
    print(jax.jit(kernel)(*tuple(_d.values())))

</pallas_src>

<mosaic_0001>
#map = affine_map<(d0, d1) -> (0, 0)>
#map1 = affine_map<(d0, d1) -> (0, 0, 0, 0)>
#map2 = affine_map<(d0, d1) -> (0, 0, 0)>
module attributes {stable_mosaic.version = 14 : i64} {
  func.func @body(%arg0: i32, %arg1: i32, %arg2: memref<10000x128xf32, #tpu.memory_space<hbm>>, %arg3: memref<2x16x79x128xi32, #tpu.memory_space<hbm>>, %arg4: memref<2x16x79x128xi32, #tpu.memory_space<hbm>>, %arg5: memref<2x10240x128xf32, #tpu.memory_space<hbm>>, %arg6: memref<79x128xi32, #tpu.memory_space<vmem>>, %arg7: memref<79x128xi32, #tpu.memory_space<vmem>>, %arg8: memref<128x128xf32, #tpu.memory_space<vmem>>, %arg9: memref<10240x128xf32, #tpu.memory_space<vmem_shared>>, %arg10: memref<!tpu.dma_semaphore, #tpu.memory_space<semaphore_mem>>) attributes {dimension_semantics = [#tpu.dimension_semantics<core_parallel>, #tpu.dimension_semantics<subcore_parallel>], iteration_bounds = array<i64: 2, 16>, scalar_prefetch = 0 : i64, scratch_operands = 5 : i64, tpu.core_type = #tpu.core_type<sc_vector_subcore>, window_params = [{transform_indices = #map}, {transform_indices = #map1}, {transform_indices = #map1}, {transform_indices = #map2}]} {
    %scan3A = arith.constant 0 : i32
    %scan3A_0 = arith.constant 0 : i32
    %scan3A_1 = arith.constant 128 : i32
    %scan3A_2 = arith.addi %scan3A_0, %scan3A_1 : i32
    %scan3A_3 = arith.constant 1 : i32
    %scan3A_4 = scf.for %scan3A_36 = %scan3A_0 to %scan3A_2 step %scan3A_3 iter_args(%scan3A_37 = %scan3A) -> (i32)  : i32 {
      %broadcast_in_dim3A = arith.constant 0.000000e+00 : f32
      %broadcast_in_dim3A_38 = vector.broadcast %broadcast_in_dim3A : f32 to vector<16xf32>
      %swap3A = arith.index_cast %scan3A_36 : i32 to index
      %swap3A_39 = arith.constant 0 : index
      %swap3A_40 = tpu.vector_load %arg8[%swap3A, %swap3A_39] {strides = array<i32>} : memref<128x128xf32, #tpu.memory_space<vmem>>, vector<1x16xf32>,
      %swap3A_41 = vector.shape_cast %swap3A_40 : vector<1x16xf32> to vector<16xf32>
      %swap3A_42 = vector.shape_cast %broadcast_in_dim3A_38 : vector<16xf32> to vector<1x16xf32>
      tpu.vector_store %arg8[%swap3A, %swap3A_39], %swap3A_42 {strides = array<i32>} : memref<128x128xf32, #tpu.memory_space<vmem>>, vector<1x16xf32>,
      %broadcast_in_dim3A_43 = arith.constant 0.000000e+00 : f32
      %broadcast_in_dim3A_44 = vector.broadcast %broadcast_in_dim3A_43 : f32 to vector<16xf32>
      %swap3A_45 = arith.index_cast %scan3A_36 : i32 to index
      %swap3A_46 = arith.constant 16 : index
      %swap3A_47 = tpu.vector_load %arg8[%swap3A_45, %swap3A_46] {strides = array<i32>} : memref<128x128xf32, #tpu.memory_space<vmem>>, vector<1x16xf32>,
      %swap3A_48 = vector.shape_cast %swap3A_47 : vector<1x16xf32> to vector<16xf32>
      %swap3A_49 = vector.shape_cast %broadcast_in_dim3A_44 : vector<16xf32> to vector<1x16xf32>
      tpu.vector_store %arg8[%swap3A_45, %swap3A_46], %swap3A_49 {strides = array<i32>} : memref<128x128xf32, #tpu.memory_space<vmem>>, vector<1x16xf32>,
      %broadcast_in_dim3A_50 = arith.constant 0.000000e+00 : f32
      %broadcast_in_dim3A_51 = vector.broadcast %broadcast_in_dim3A_50 : f32 to vector<16xf32>
      %swap3A_52 = arith.index_cast %scan3A_36 : i32 to index
      %swap3A_53 = arith.constant 32 : index
      %swap3A_54 = tpu.vector_load %arg8[%swap3A_52, %swap3A_53] {strides = array<i32>} : memref<128x128xf32, #tpu.memory_space<vmem>>, vector<1x16xf32>,
      %swap3A_55 = vector.shape_cast %swap3A_54 : vector<1x16xf32> to vector<16xf32>
      %swap3A_56 = vector.shape_cast %broadcast_in_dim3A_51 : vector<16xf32> to vector<1x16xf32>
      tpu.vector_store %arg8[%swap3A_52, %swap3A_53], %swap3A_56 {strides = array<i32>} : memref<128x128xf32, #tpu.memory_space<vmem>>, vector<1x16xf32>,
      %broadcast_in_dim3A_57 = arith.constant 0.000000e+00 : f32
      %broadcast_in_dim3A_58 = vector.broadcast %broadcast_in_dim3A_57 : f32 to vector<16xf32>
      %swap3A_59 = arith.index_cast %scan3A_36 : i32 to index
      %swap3A_60 = arith.constant 48 : index
      %swap3A_61 = tpu.vector_load %arg8[%swap3A_59, %swap3A_60] {strides = array<i32>} : memref<128x128xf32, #tpu.memory_space<vmem>>, vector<1x16xf32>,
      %swap3A_62 = vector.shape_cast %swap3A_61 : vector<1x16xf32> to vector<16xf32>
      %swap3A_63 = vector.shape_cast %broadcast_in_dim3A_58 : vector<16xf32> to vector<1x16xf32>
      tpu.vector_store %arg8[%swap3A_59, %swap3A_60], %swap3A_63 {strides = array<i32>} : memref<128x128xf32, #tpu.memory_space<vmem>>, vector<1x16xf32>,
      %broadcast_in_dim3A_64 = arith.constant 0.000000e+00 : f32
      %broadcast_in_dim3A_65 = vector.broadcast %broadcast_in_dim3A_64 : f32 to vector<16xf32>
      %swap3A_66 = arith.index_cast %scan3A_36 : i32 to index
      %swap3A_67 = arith.constant 64 : index
      %swap3A_68 = tpu.vector_load %arg8[%swap3A_66, %swap3A_67] {strides = array<i32>} : memref<128x128xf32, #tpu.memory_space<vmem>>, vector<1x16xf32>,
      %swap3A_69 = vector.shape_cast %swap3A_68 : vector<1x16xf32> to vector<16xf32>
      %swap3A_70 = vector.shape_cast %broadcast_in_dim3A_65 : vector<16xf32> to vector<1x16xf32>
      tpu.vector_store %arg8[%swap3A_66, %swap3A_67], %swap3A_70 {strides = array<i32>} : memref<128x128xf32, #tpu.memory_space<vmem>>, vector<1x16xf32>,
      %broadcast_in_dim3A_71 = arith.constant 0.000000e+00 : f32
      %broadcast_in_dim3A_72 = vector.broadcast %broadcast_in_dim3A_71 : f32 to vector<16xf32>
      %swap3A_73 = arith.index_cast %scan3A_36 : i32 to index
      %swap3A_74 = arith.constant 80 : index
      %swap3A_75 = tpu.vector_load %arg8[%swap3A_73, %swap3A_74] {strides = array<i32>} : memref<128x128xf32, #tpu.memory_space<vmem>>, vector<1x16xf32>,
      %swap3A_76 = vector.shape_cast %swap3A_75 : vector<1x16xf32> to vector<16xf32>
      %swap3A_77 = vector.shape_cast %broadcast_in_dim3A_72 : vector<16xf32> to vector<1x16xf32>
      tpu.vector_store %arg8[%swap3A_73, %swap3A_74], %swap3A_77 {strides = array<i32>} : memref<128x128xf32, #tpu.memory_space<vmem>>, vector<1x16xf32>,
      %broadcast_in_dim3A_78 = arith.constant 0.000000e+00 : f32
      %broadcast_in_dim3A_79 = vector.broadcast %broadcast_in_dim3A_78 : f32 to vector<16xf32>
      %swap3A_80 = arith.index_cast %scan3A_36 : i32 to index
      %swap3A_81 = arith.constant 96 : index
      %swap3A_82 = tpu.vector_load %arg8[%swap3A_80, %swap3A_81] {strides = array<i32>} : memref<128x128xf32, #tpu.memory_space<vmem>>, vector<1x16xf32>,
      %swap3A_83 = vector.shape_cast %swap3A_82 : vector<1x16xf32> to vector<16xf32>
      %swap3A_84 = vector.shape_cast %broadcast_in_dim3A_79 : vector<16xf32> to vector<1x16xf32>
      tpu.vector_store %arg8[%swap3A_80, %swap3A_81], %swap3A_84 {strides = array<i32>} : memref<128x128xf32, #tpu.memory_space<vmem>>, vector<1x16xf32>,
      %broadcast_in_dim3A_85 = arith.constant 0.000000e+00 : f32
      %broadcast_in_dim3A_86 = vector.broadcast %broadcast_in_dim3A_85 : f32 to vector<16xf32>
      %swap3A_87 = arith.index_cast %scan3A_36 : i32 to index
      %swap3A_88 = arith.constant 112 : index
      %swap3A_89 = tpu.vector_load %arg8[%swap3A_87, %swap3A_88] {strides = array<i32>} : memref<128x128xf32, #tpu.memory_space<vmem>>, vector<1x16xf32>,
      %swap3A_90 = vector.shape_cast %swap3A_89 : vector<1x16xf32> to vector<16xf32>
      %swap3A_91 = vector.shape_cast %broadcast_in_dim3A_86 : vector<16xf32> to vector<1x16xf32>
      tpu.vector_store %arg8[%swap3A_87, %swap3A_88], %swap3A_91 {strides = array<i32>} : memref<128x128xf32, #tpu.memory_space<vmem>>, vector<1x16xf32>,
      %scan3A_92 = arith.constant 0 : i32
      scf.yield %scan3A_92 : i32
    }
    %scan3A_5 = arith.constant 128 : i32
    %mul3A = arith.constant 640 : i32
    %mul3A_6 = arith.muli %arg1, %mul3A : i32
    %add3A = arith.constant 0 : i32
    %add3A_7 = arith.addi %mul3A_6, %add3A : i32
    "tpu.region"() ({
      %run_scoped3A = tpu.sem_alloc : memref<!tpu.dma_semaphore, #tpu.memory_space<semaphore_mem>>
      %dma_start3A = arith.constant 0 : i32
      %dma_start3A_36 = tpu.memref_slice %arg9[%add3A_7, %dma_start3A] : memref<10240x128xf32, #tpu.memory_space<vmem_shared>> -> memref<128x128xf32, #tpu.memory_space<vmem_shared>>
      %dma_start3A_37 = arith.constant 0 : i32
      %dma_start3A_38 = tpu.memref_slice %arg9[%add3A_7, %dma_start3A_37] : memref<10240x128xf32, #tpu.memory_space<vmem_shared>> -> memref<128x128xf32, #tpu.memory_space<vmem_shared>>
      tpu.enqueue_dma source(%arg8 : memref<128x128xf32, #tpu.memory_space<vmem>>) target(%dma_start3A_38 : memref<128x128xf32, #tpu.memory_space<vmem_shared>>) target_semaphore(%run_scoped3A : memref<!tpu.dma_semaphore, #tpu.memory_space<semaphore_mem>>)
      %dma_wait3A = arith.constant 0 : i32
      %dma_wait3A_39 = tpu.memref_slice %arg9[%add3A_7, %dma_wait3A] : memref<10240x128xf32, #tpu.memory_space<vmem_shared>> -> memref<128x128xf32, #tpu.memory_space<vmem_shared>>
      %dma_wait3A_40 = arith.constant 0 : i32
      %dma_wait3A_41 = tpu.memref_slice %arg9[%add3A_7, %dma_wait3A_40] : memref<10240x128xf32, #tpu.memory_space<vmem_shared>> -> memref<128x128xf32, #tpu.memory_space<vmem_shared>>
      tpu.wait_dma2 semaphore(%run_scoped3A : memref<!tpu.dma_semaphore, #tpu.memory_space<semaphore_mem>>) src(%arg8 : memref<128x128xf32, #tpu.memory_space<vmem>>) dst(%dma_wait3A_41 : memref<128x128xf32, #tpu.memory_space<vmem_shared>>)
      tpu.yield
    }) : () -> ()
    %mul3A_8 = arith.constant 640 : i32
    %mul3A_9 = arith.muli %arg1, %mul3A_8 : i32
    %add3A_10 = arith.constant 128 : i32
    %add3A_11 = arith.addi %mul3A_9, %add3A_10 : i32
    "tpu.region"() ({
      %run_scoped3A = tpu.sem_alloc : memref<!tpu.dma_semaphore, #tpu.memory_space<semaphore_mem>>
      %dma_start3A = arith.constant 0 : i32
      %dma_start3A_36 = tpu.memref_slice %arg9[%add3A_11, %dma_start3A] : memref<10240x128xf32, #tpu.memory_space<vmem_shared>> -> memref<128x128xf32, #tpu.memory_space<vmem_shared>>
      %dma_start3A_37 = arith.constant 0 : i32
      %dma_start3A_38 = tpu.memref_slice %arg9[%add3A_11, %dma_start3A_37] : memref<10240x128xf32, #tpu.memory_space<vmem_shared>> -> memref<128x128xf32, #tpu.memory_space<vmem_shared>>
      tpu.enqueue_dma source(%arg8 : memref<128x128xf32, #tpu.memory_space<vmem>>) target(%dma_start3A_38 : memref<128x128xf32, #tpu.memory_space<vmem_shared>>) target_semaphore(%run_scoped3A : memref<!tpu.dma_semaphore, #tpu.memory_space<semaphore_mem>>)
      %dma_wait3A = arith.constant 0 : i32
      %dma_wait3A_39 = tpu.memref_slice %arg9[%add3A_11, %dma_wait3A] : memref<10240x128xf32, #tpu.memory_space<vmem_shared>> -> memref<128x128xf32, #tpu.memory_space<vmem_shared>>
      %dma_wait3A_40 = arith.constant 0 : i32
      %dma_wait3A_41 = tpu.memref_slice %arg9[%add3A_11, %dma_wait3A_40] : memref<10240x128xf32, #tpu.memory_space<vmem_shared>> -> memref<128x128xf32, #tpu.memory_space<vmem_shared>>
      tpu.wait_dma2 semaphore(%run_scoped3A : memref<!tpu.dma_semaphore, #tpu.memory_space<semaphore_mem>>) src(%arg8 : memref<128x128xf32, #tpu.memory_space<vmem>>) dst(%dma_wait3A_41 : memref<128x128xf32, #tpu.memory_space<vmem_shared>>)
      tpu.yield
    }) : () -> ()
    %mul3A_12 = arith.constant 640 : i32
    %mul3A_13 = arith.muli %arg1, %mul3A_12 : i32
    %add3A_14 = arith.constant 256 : i32
    %add3A_15 = arith.addi %mul3A_13, %add3A_14 : i32
    "tpu.region"() ({
      %run_scoped3A = tpu.sem_alloc : memref<!tpu.dma_semaphore, #tpu.memory_space<semaphore_mem>>
      %dma_start3A = arith.constant 0 : i32
      %dma_start3A_36 = tpu.memref_slice %arg9[%add3A_15, %dma_start3A] : memref<10240x128xf32, #tpu.memory_space<vmem_shared>> -> memref<128x128xf32, #tpu.memory_space<vmem_shared>>
      %dma_start3A_37 = arith.constant 0 : i32
      %dma_start3A_38 = tpu.memref_slice %arg9[%add3A_15, %dma_start3A_37] : memref<10240x128xf32, #tpu.memory_space<vmem_shared>> -> memref<128x128xf32, #tpu.memory_space<vmem_shared>>
      tpu.enqueue_dma source(%arg8 : memref<128x128xf32, #tpu.memory_space<vmem>>) target(%dma_start3A_38 : memref<128x128xf32, #tpu.memory_space<vmem_shared>>) target_semaphore(%run_scoped3A : memref<!tpu.dma_semaphore, #tpu.memory_space<semaphore_mem>>)
      %dma_wait3A = arith.constant 0 : i32
      %dma_wait3A_39 = tpu.memref_slice %arg9[%add3A_15, %dma_wait3A] : memref<10240x128xf32, #tpu.memory_space<vmem_shared>> -> memref<128x128xf32, #tpu.memory_space<vmem_shared>>
      %dma_wait3A_40 = arith.constant 0 : i32
      %dma_wait3A_41 = tpu.memref_slice %arg9[%add3A_15, %dma_wait3A_40] : memref<10240x128xf32, #tpu.memory_space<vmem_shared>> -> memref<128x128xf32, #tpu.memory_space<vmem_shared>>
      tpu.wait_dma2 semaphore(%run_scoped3A : memref<!tpu.dma_semaphore, #tpu.memory_space<semaphore_mem>>) src(%arg8 : memref<128x128xf32, #tpu.memory_space<vmem>>) dst(%dma_wait3A_41 : memref<128x128xf32, #tpu.memory_space<vmem_shared>>)
      tpu.yield
    }) : () -> ()
    %mul3A_16 = arith.constant 640 : i32
    %mul3A_17 = arith.muli %arg1, %mul3A_16 : i32
    %add3A_18 = arith.constant 384 : i32
    %add3A_19 = arith.addi %mul3A_17, %add3A_18 : i32
    "tpu.region"() ({
      %run_scoped3A = tpu.sem_alloc : memref<!tpu.dma_semaphore, #tpu.memory_space<semaphore_mem>>
      %dma_start3A = arith.constant 0 : i32
      %dma_start3A_36 = tpu.memref_slice %arg9[%add3A_19, %dma_start3A] : memref<10240x128xf32, #tpu.memory_space<vmem_shared>> -> memref<128x128xf32, #tpu.memory_space<vmem_shared>>
      %dma_start3A_37 = arith.constant 0 : i32
      %dma_start3A_38 = tpu.memref_slice %arg9[%add3A_19, %dma_start3A_37] : memref<10240x128xf32, #tpu.memory_space<vmem_shared>> -> memref<128x128xf32, #tpu.memory_space<vmem_shared>>
      tpu.enqueue_dma source(%arg8 : memref<128x128xf32, #tpu.memory_space<vmem>>) target(%dma_start3A_38 : memref<128x128xf32, #tpu.memory_space<vmem_shared>>) target_semaphore(%run_scoped3A : memref<!tpu.dma_semaphore, #tpu.memory_space<semaphore_mem>>)
      %dma_wait3A = arith.constant 0 : i32
      %dma_wait3A_39 = tpu.memref_slice %arg9[%add3A_19, %dma_wait3A] : memref<10240x128xf32, #tpu.memory_space<vmem_shared>> -> memref<128x128xf32, #tpu.memory_space<vmem_shared>>
      %dma_wait3A_40 = arith.constant 0 : i32
      %dma_wait3A_41 = tpu.memref_slice %arg9[%add3A_19, %dma_wait3A_40] : memref<10240x128xf32, #tpu.memory_space<vmem_shared>> -> memref<128x128xf32, #tpu.memory_space<vmem_shared>>
      tpu.wait_dma2 semaphore(%run_scoped3A : memref<!tpu.dma_semaphore, #tpu.memory_space<semaphore_mem>>) src(%arg8 : memref<128x128xf32, #tpu.memory_space<vmem>>) dst(%dma_wait3A_41 : memref<128x128xf32, #tpu.memory_space<vmem_shared>>)
      tpu.yield
    }) : () -> ()
    %mul3A_20 = arith.constant 640 : i32
    %mul3A_21 = arith.muli %arg1, %mul3A_20 : i32
    %add3A_22 = arith.constant 512 : i32
    %add3A_23 = arith.addi %mul3A_21, %add3A_22 : i32
    "tpu.region"() ({
      %run_scoped3A = tpu.sem_alloc : memref<!tpu.dma_semaphore, #tpu.memory_space<semaphore_mem>>
      %dma_start3A = arith.constant 0 : i32
      %dma_start3A_36 = tpu.memref_slice %arg9[%add3A_23, %dma_start3A] : memref<10240x128xf32, #tpu.memory_space<vmem_shared>> -> memref<128x128xf32, #tpu.memory_space<vmem_shared>>
      %dma_start3A_37 = arith.constant 0 : i32
      %dma_start3A_38 = tpu.memref_slice %arg9[%add3A_23, %dma_start3A_37] : memref<10240x128xf32, #tpu.memory_space<vmem_shared>> -> memref<128x128xf32, #tpu.memory_space<vmem_shared>>
      tpu.enqueue_dma source(%arg8 : memref<128x128xf32, #tpu.memory_space<vmem>>) target(%dma_start3A_38 : memref<128x128xf32, #tpu.memory_space<vmem_shared>>) target_semaphore(%run_scoped3A : memref<!tpu.dma_semaphore, #tpu.memory_space<semaphore_mem>>)
      %dma_wait3A = arith.constant 0 : i32
      %dma_wait3A_39 = tpu.memref_slice %arg9[%add3A_23, %dma_wait3A] : memref<10240x128xf32, #tpu.memory_space<vmem_shared>> -> memref<128x128xf32, #tpu.memory_space<vmem_shared>>
      %dma_wait3A_40 = arith.constant 0 : i32
      %dma_wait3A_41 = tpu.memref_slice %arg9[%add3A_23, %dma_wait3A_40] : memref<10240x128xf32, #tpu.memory_space<vmem_shared>> -> memref<128x128xf32, #tpu.memory_space<vmem_shared>>
      tpu.wait_dma2 semaphore(%run_scoped3A : memref<!tpu.dma_semaphore, #tpu.memory_space<semaphore_mem>>) src(%arg8 : memref<128x128xf32, #tpu.memory_space<vmem>>) dst(%dma_wait3A_41 : memref<128x128xf32, #tpu.memory_space<vmem_shared>>)
      tpu.yield
    }) : () -> ()
    "tpu.region"() ({
      %run_scoped3A = tpu.sem_alloc : memref<!tpu.dma_semaphore, #tpu.memory_space<semaphore_mem>>
      %dma_start3A = arith.constant 0 : i32
      %dma_start3A_36 = arith.constant 0 : i32
      %dma_start3A_37 = tpu.memref_slice %arg3[%arg0, %arg1, %dma_start3A, %dma_start3A_36] : memref<2x16x79x128xi32, #tpu.memory_space<hbm>> -> memref<1x1x79x128xi32, #tpu.memory_space<hbm>>
      %dma_start3A_38 = tpu.memref_squeeze %dma_start3A_37 : memref<1x1x79x128xi32, #tpu.memory_space<hbm>> -> memref<79x128xi32, #tpu.memory_space<hbm>>
      %dma_start3A_39 = arith.constant 0 : i32
      %dma_start3A_40 = arith.constant 0 : i32
      %dma_start3A_41 = tpu.memref_slice %arg3[%arg0, %arg1, %dma_start3A_39, %dma_start3A_40] : memref<2x16x79x128xi32, #tpu.memory_space<hbm>> -> memref<1x1x79x128xi32, #tpu.memory_space<hbm>>
      %dma_start3A_42 = tpu.memref_squeeze %dma_start3A_41 : memref<1x1x79x128xi32, #tpu.memory_space<hbm>> -> memref<79x128xi32, #tpu.memory_space<hbm>>
      tpu.enqueue_dma source(%dma_start3A_42 : memref<79x128xi32, #tpu.memory_space<hbm>>) target(%arg6 : memref<79x128xi32, #tpu.memory_space<vmem>>) target_semaphore(%run_scoped3A : memref<!tpu.dma_semaphore, #tpu.memory_space<semaphore_mem>>)
      %dma_wait3A = arith.constant 0 : i32
      %dma_wait3A_43 = arith.constant 0 : i32
      %dma_wait3A_44 = tpu.memref_slice %arg3[%arg0, %arg1, %dma_wait3A, %dma_wait3A_43] : memref<2x16x79x128xi32, #tpu.memory_space<hbm>> -> memref<1x1x79x128xi32, #tpu.memory_space<hbm>>
      %dma_wait3A_45 = tpu.memref_squeeze %dma_wait3A_44 : memref<1x1x79x128xi32, #tpu.memory_space<hbm>> -> memref<79x128xi32, #tpu.memory_space<hbm>>
      %dma_wait3A_46 = arith.constant 0 : i32
      %dma_wait3A_47 = arith.constant 0 : i32
      %dma_wait3A_48 = tpu.memref_slice %arg3[%arg0, %arg1, %dma_wait3A_46, %dma_wait3A_47] : memref<2x16x79x128xi32, #tpu.memory_space<hbm>> -> memref<1x1x79x128xi32, #tpu.memory_space<hbm>>
      %dma_wait3A_49 = tpu.memref_squeeze %dma_wait3A_48 : memref<1x1x79x128xi32, #tpu.memory_space<hbm>> -> memref<79x128xi32, #tpu.memory_space<hbm>>
      tpu.wait_dma2 semaphore(%run_scoped3A : memref<!tpu.dma_semaphore, #tpu.memory_space<semaphore_mem>>) src(%dma_wait3A_49 : memref<79x128xi32, #tpu.memory_space<hbm>>) dst(%arg6 : memref<79x128xi32, #tpu.memory_space<vmem>>)
      tpu.yield
    }) : () -> ()
    "tpu.region"() ({
      %run_scoped3A = tpu.sem_alloc : memref<!tpu.dma_semaphore, #tpu.memory_space<semaphore_mem>>
      %dma_start3A = arith.constant 0 : i32
      %dma_start3A_36 = arith.constant 0 : i32
      %dma_start3A_37 = tpu.memref_slice %arg4[%arg0, %arg1, %dma_start3A, %dma_start3A_36] : memref<2x16x79x128xi32, #tpu.memory_space<hbm>> -> memref<1x1x79x128xi32, #tpu.memory_space<hbm>>
      %dma_start3A_38 = tpu.memref_squeeze %dma_start3A_37 : memref<1x1x79x128xi32, #tpu.memory_space<hbm>> -> memref<79x128xi32, #tpu.memory_space<hbm>>
      %dma_start3A_39 = arith.constant 0 : i32
      %dma_start3A_40 = arith.constant 0 : i32
      %dma_start3A_41 = tpu.memref_slice %arg4[%arg0, %arg1, %dma_start3A_39, %dma_start3A_40] : memref<2x16x79x128xi32, #tpu.memory_space<hbm>> -> memref<1x1x79x128xi32, #tpu.memory_space<hbm>>
      %dma_start3A_42 = tpu.memref_squeeze %dma_start3A_41 : memref<1x1x79x128xi32, #tpu.memory_space<hbm>> -> memref<79x128xi32, #tpu.memory_space<hbm>>
      tpu.enqueue_dma source(%dma_start3A_42 : memref<79x128xi32, #tpu.memory_space<hbm>>) target(%arg7 : memref<79x128xi32, #tpu.memory_space<vmem>>) target_semaphore(%run_scoped3A : memref<!tpu.dma_semaphore, #tpu.memory_space<semaphore_mem>>)
      %dma_wait3A = arith.constant 0 : i32
      %dma_wait3A_43 = arith.constant 0 : i32
      %dma_wait3A_44 = tpu.memref_slice %arg4[%arg0, %arg1, %dma_wait3A, %dma_wait3A_43] : memref<2x16x79x128xi32, #tpu.memory_space<hbm>> -> memref<1x1x79x128xi32, #tpu.memory_space<hbm>>
      %dma_wait3A_45 = tpu.memref_squeeze %dma_wait3A_44 : memref<1x1x79x128xi32, #tpu.memory_space<hbm>> -> memref<79x128xi32, #tpu.memory_space<hbm>>
      %dma_wait3A_46 = arith.constant 0 : i32
      %dma_wait3A_47 = arith.constant 0 : i32
      %dma_wait3A_48 = tpu.memref_slice %arg4[%arg0, %arg1, %dma_wait3A_46, %dma_wait3A_47] : memref<2x16x79x128xi32, #tpu.memory_space<hbm>> -> memref<1x1x79x128xi32, #tpu.memory_space<hbm>>
      %dma_wait3A_49 = tpu.memref_squeeze %dma_wait3A_48 : memref<1x1x79x128xi32, #tpu.memory_space<hbm>> -> memref<79x128xi32, #tpu.memory_space<hbm>>
      tpu.wait_dma2 semaphore(%run_scoped3A : memref<!tpu.dma_semaphore, #tpu.memory_space<semaphore_mem>>) src(%dma_wait3A_49 : memref<79x128xi32, #tpu.memory_space<hbm>>) dst(%arg7 : memref<79x128xi32, #tpu.memory_space<vmem>>)
      tpu.yield
    }) : () -> ()
    %barrier3A = arith.constant 0 : index
    tpu.barrier barrier_id(%barrier3A)
    %scan3A_24 = arith.constant 0 : i32
    %scan3A_25 = arith.constant 0 : i32
    %scan3A_26 = arith.constant 79 : i32
    %scan3A_27 = arith.addi %scan3A_25, %scan3A_26 : i32
    %scan3A_28 = arith.constant 1 : i32
    %scan3A_29 = scf.for %scan3A_36 = %scan3A_25 to %scan3A_27 step %scan3A_28 iter_args(%scan3A_37 = %scan3A_24) -> (i32)  : i32 {
      %dma_start3A = arith.constant 0 : i32
      %dma_start3A_38 = tpu.memref_slice %arg6[%scan3A_36, %dma_start3A] : memref<79x128xi32, #tpu.memory_space<vmem>> -> memref<1x128xi32, #tpu.memory_space<vmem>>
      %dma_start3A_39 = tpu.memref_squeeze %dma_start3A_38 : memref<1x128xi32, #tpu.memory_space<vmem>> -> memref<128xi32, #tpu.memory_space<vmem>>
      %dma_start3A_40 = arith.constant 0 : i32
      %dma_start3A_41 = arith.constant 0 : i32
      %dma_start3A_42 = tpu.memref_slice %arg2[%dma_start3A_40, %dma_start3A_41] : memref<10000x128xf32, #tpu.memory_space<hbm>> -> memref<10000x128xf32, #tpu.memory_space<hbm>>
      tpu.enqueue_indirect_dma source(%dma_start3A_42 : memref<10000x128xf32, #tpu.memory_space<hbm>>) target(%arg8 : memref<128x128xf32, #tpu.memory_space<vmem>>) offsets(%dma_start3A_39 : memref<128xi32, #tpu.memory_space<vmem>>) semaphore(%arg10 : memref<!tpu.dma_semaphore, #tpu.memory_space<semaphore_mem>>)
      %dma_wait3A = arith.constant 0 : i32
      %dma_wait3A_43 = tpu.memref_slice %arg6[%scan3A_36, %dma_wait3A] : memref<79x128xi32, #tpu.memory_space<vmem>> -> memref<1x128xi32, #tpu.memory_space<vmem>>
      %dma_wait3A_44 = tpu.memref_squeeze %dma_wait3A_43 : memref<1x128xi32, #tpu.memory_space<vmem>> -> memref<128xi32, #tpu.memory_space<vmem>>
      %dma_wait3A_45 = arith.constant 0 : i32
      %dma_wait3A_46 = arith.constant 0 : i32
      %dma_wait3A_47 = tpu.memref_slice %arg2[%dma_wait3A_45, %dma_wait3A_46] : memref<10000x128xf32, #tpu.memory_space<hbm>> -> memref<10000x128xf32, #tpu.memory_space<hbm>>
      tpu.wait_indirect_dma semaphore(%arg10 : memref<!tpu.dma_semaphore, #tpu.memory_space<semaphore_mem>>) src(%dma_wait3A_47 : memref<10000x128xf32, #tpu.memory_space<hbm>>) dst(%arg8 : memref<128x128xf32, #tpu.memory_space<vmem>>)
      "tpu.region"() ({
        %run_scoped3A = tpu.sem_alloc : memref<!tpu.dma_semaphore, #tpu.memory_space<semaphore_mem>>
        %dma_start3A_49 = arith.constant 0 : i32
        %dma_start3A_50 = tpu.memref_slice %arg7[%scan3A_36, %dma_start3A_49] : memref<79x128xi32, #tpu.memory_space<vmem>> -> memref<1x128xi32, #tpu.memory_space<vmem>>
        %dma_start3A_51 = tpu.memref_squeeze %dma_start3A_50 : memref<1x128xi32, #tpu.memory_space<vmem>> -> memref<128xi32, #tpu.memory_space<vmem>>
        %dma_start3A_52 = arith.constant 0 : i32
        %dma_start3A_53 = arith.constant 0 : i32
        %dma_start3A_54 = tpu.memref_slice %arg9[%dma_start3A_52, %dma_start3A_53] : memref<10240x128xf32, #tpu.memory_space<vmem_shared>> -> memref<10240x128xf32, #tpu.memory_space<vmem_shared>>
        tpu.enqueue_indirect_dma source(%arg8 : memref<128x128xf32, #tpu.memory_space<vmem>>) target(%dma_start3A_54 : memref<10240x128xf32, #tpu.memory_space<vmem_shared>>) offsets(%dma_start3A_51 : memref<128xi32, #tpu.memory_space<vmem>>) semaphore(%run_scoped3A : memref<!tpu.dma_semaphore, #tpu.memory_space<semaphore_mem>>) {add = true}
        %dma_wait3A_55 = arith.constant 0 : i32
        %dma_wait3A_56 = tpu.memref_slice %arg7[%scan3A_36, %dma_wait3A_55] : memref<79x128xi32, #tpu.memory_space<vmem>> -> memref<1x128xi32, #tpu.memory_space<vmem>>
        %dma_wait3A_57 = tpu.memref_squeeze %dma_wait3A_56 : memref<1x128xi32, #tpu.memory_space<vmem>> -> memref<128xi32, #tpu.memory_space<vmem>>
        %dma_wait3A_58 = arith.constant 0 : i32
        %dma_wait3A_59 = arith.constant 0 : i32
        %dma_wait3A_60 = tpu.memref_slice %arg9[%dma_wait3A_58, %dma_wait3A_59] : memref<10240x128xf32, #tpu.memory_space<vmem_shared>> -> memref<10240x128xf32, #tpu.memory_space<vmem_shared>>
        tpu.wait_indirect_dma semaphore(%run_scoped3A : memref<!tpu.dma_semaphore, #tpu.memory_space<semaphore_mem>>) src(%arg8 : memref<128x128xf32, #tpu.memory_space<vmem>>) dst(%dma_wait3A_60 : memref<10240x128xf32, #tpu.memory_space<vmem_shared>>)
        tpu.yield
      }) : () -> ()
      %scan3A_48 = arith.constant 0 : i32
      scf.yield %scan3A_48 : i32
    }
    %scan3A_30 = arith.constant 79 : i32
    %barrier3A_31 = arith.constant 0 : index
    tpu.barrier barrier_id(%barrier3A_31)
    %mul3A_32 = arith.constant 640 : i32
    %mul3A_33 = arith.muli %arg1, %mul3A_32 : i32
    %mul3A_34 = arith.constant 640 : i32
    %mul3A_35 = arith.muli %arg1, %mul3A_34 : i32
    "tpu.region"() ({
      %run_scoped3A = tpu.sem_alloc : memref<!tpu.dma_semaphore, #tpu.memory_space<semaphore_mem>>
      %dma_start3A = arith.constant 0 : i32
      %dma_start3A_36 = tpu.memref_slice %arg5[%arg0, %mul3A_35, %dma_start3A] : memref<2x10240x128xf32, #tpu.memory_space<hbm>> -> memref<1x640x128xf32, #tpu.memory_space<hbm>>
      %dma_start3A_37 = tpu.memref_squeeze %dma_start3A_36 : memref<1x640x128xf32, #tpu.memory_space<hbm>> -> memref<640x128xf32, #tpu.memory_space<hbm>>
      %dma_start3A_38 = arith.constant 0 : i32
      %dma_start3A_39 = tpu.memref_slice %arg9[%mul3A_33, %dma_start3A_38] : memref<10240x128xf32, #tpu.memory_space<vmem_shared>> -> memref<640x128xf32, #tpu.memory_space<vmem_shared>>
      tpu.enqueue_dma source(%dma_start3A_39 : memref<640x128xf32, #tpu.memory_space<vmem_shared>>) target(%dma_start3A_37 : memref<640x128xf32, #tpu.memory_space<hbm>>) target_semaphore(%run_scoped3A : memref<!tpu.dma_semaphore, #tpu.memory_space<semaphore_mem>>)
      %dma_wait3A = arith.constant 0 : i32
      %dma_wait3A_40 = tpu.memref_slice %arg5[%arg0, %mul3A_35, %dma_wait3A] : memref<2x10240x128xf32, #tpu.memory_space<hbm>> -> memref<1x640x128xf32, #tpu.memory_space<hbm>>
      %dma_wait3A_41 = tpu.memref_squeeze %dma_wait3A_40 : memref<1x640x128xf32, #tpu.memory_space<hbm>> -> memref<640x128xf32, #tpu.memory_space<hbm>>
      %dma_wait3A_42 = arith.constant 0 : i32
      %dma_wait3A_43 = tpu.memref_slice %arg9[%mul3A_33, %dma_wait3A_42] : memref<10240x128xf32, #tpu.memory_space<vmem_shared>> -> memref<640x128xf32, #tpu.memory_space<vmem_shared>>
      tpu.wait_dma2 semaphore(%run_scoped3A : memref<!tpu.dma_semaphore, #tpu.memory_space<semaphore_mem>>) src(%dma_wait3A_43 : memref<640x128xf32, #tpu.memory_space<vmem_shared>>) dst(%dma_wait3A_41 : memref<640x128xf32, #tpu.memory_space<hbm>>)
      tpu.yield
    }) : () -> ()
    return
  }
}

module attributes {stable_mosaic.version = 14 : i64} {
  func.func @body(%arg0: i32, %arg1: memref<2000x128xf32, #tpu.memory_space<vmem>>, %arg2: memref<2000x128xf32, #tpu.memory_space<vmem>>, %arg3: memref<2000x128xf32, #tpu.memory_space<vmem>>, %arg4: memref<128x128xf32, #tpu.memory_space<vmem>>, %arg5: memref<1x128xf32, #tpu.memory_space<vmem>>, %arg6: memref<2000x128xf32, #tpu.memory_space<vmem>>) attributes {dimension_semantics = [#tpu.dimension_semantics<arbitrary>], iteration_bounds = array<i64: 5>, scalar_prefetch = 0 : i64, scratch_operands = 0 : i64, tpu.core_type = #tpu.core_type<tc>, window_params = [{transform_indices = @transform_0, window_bounds = array<i64: 2000, 128>}, {transform_indices = @transform_1, window_bounds = array<i64: 2000, 128>}, {transform_indices = @transform_2, window_bounds = array<i64: 2000, 128>}, {pipeline_mode = #tpu.pipeline_mode<synchronous>, transform_indices = @transform_3, window_bounds = array<i64: 128, 128>}, {pipeline_mode = #tpu.pipeline_mode<synchronous>, transform_indices = @transform_4, window_bounds = array<i64: 1, 128>}, {transform_indices = @transform_5, window_bounds = array<i64: 2000, 128>}]} {
    %get3A = arith.constant 0 : index
    %get3A_0 = arith.constant 0 : index
    %get3A_1 = vector.load %arg1[%get3A, %get3A_0] : memref<2000x128xf32, #tpu.memory_space<vmem>>, vector<2000x128xf32>
    %get3A_2 = arith.constant 0 : index
    %get3A_3 = arith.constant 0 : index
    %get3A_4 = vector.load %arg2[%get3A_2, %get3A_3] : memref<2000x128xf32, #tpu.memory_space<vmem>>, vector<2000x128xf32>
    %add3A = arith.addf %get3A_1, %get3A_4 : vector<2000x128xf32>
    %get3A_5 = arith.constant 0 : index
    %get3A_6 = arith.constant 0 : index
    %get3A_7 = vector.load %arg3[%get3A_5, %get3A_6] : memref<2000x128xf32, #tpu.memory_space<vmem>>, vector<2000x128xf32>
    %add3A_8 = arith.addf %add3A, %get3A_7 : vector<2000x128xf32>
    %get3A_9 = arith.constant 0 : index
    %get3A_10 = arith.constant 0 : index
    %get3A_11 = vector.load %arg4[%get3A_9, %get3A_10] : memref<128x128xf32, #tpu.memory_space<vmem>>, vector<128x128xf32>
    %dot_general3A = arith.constant dense<0.000000e+00> : vector<2000x128xf32>
    %dot_general3A_12 = tpu.matmul %add3A_8, %get3A_11, %dot_general3A {dimension_numbers = #tpu.dot_dimension_numbers<[1], [1], [0], [0], [0, 0, 1, 0], [], []>, transpose_lhs_hint = false} : vector<2000x128xf32>, vector<128x128xf32>, vector<2000x128xf32> -> vector<2000x128xf32>
    %get3A_13 = arith.constant 0 : index
    %get3A_14 = arith.constant 0 : index
    %get3A_15 = vector.load %arg5[%get3A_13, %get3A_14] : memref<1x128xf32, #tpu.memory_space<vmem>>, vector<1x128xf32>
    %add3A_16 = vector.broadcast %get3A_15 : vector<1x128xf32> to vector<2000x128xf32>
    %add3A_17 = arith.addf %dot_general3A_12, %add3A_16 : vector<2000x128xf32>
    %swap3A = arith.constant 0 : index
    %swap3A_18 = arith.constant 0 : index
    %swap3A_19 = vector.load %arg6[%swap3A, %swap3A_18] : memref<2000x128xf32, #tpu.memory_space<vmem>>, vector<2000x128xf32>
    tpu.vector_store %arg6[%swap3A, %swap3A_18], %add3A_17 {strides = array<i32>} : memref<2000x128xf32, #tpu.memory_space<vmem>>, vector<2000x128xf32>,
    return
  }
  func.func @transform_0(%arg0: i32) -> (i32, i32) {
    %c0_i32 = arith.constant 0 : i32
    %c0_i32_0 = arith.constant 0 : i32
    return %arg0, %c0_i32 : i32, i32
  }
  func.func @transform_1(%arg0: i32) -> (i32, i32) {
    %c0_i32 = arith.constant 0 : i32
    %c0_i32_0 = arith.constant 0 : i32
    return %arg0, %c0_i32 : i32, i32
  }
  func.func @transform_2(%arg0: i32) -> (i32, i32) {
    %c0_i32 = arith.constant 0 : i32
    %c0_i32_0 = arith.constant 0 : i32
    return %arg0, %c0_i32 : i32, i32
  }
  func.func @transform_3(%arg0: i32) -> (i32, i32) {
    %c0_i32 = arith.constant 0 : i32
    %c0_i32_0 = arith.constant 0 : i32
    %c0_i32_1 = arith.constant 0 : i32
    return %c0_i32, %c0_i32_0 : i32, i32
  }
  func.func @transform_4(%arg0: i32) -> (i32, i32) {
    %c0_i32 = arith.constant 0 : i32
    %c0_i32_0 = arith.constant 0 : i32
    %c0_i32_1 = arith.constant 0 : i32
    return %c0_i32, %c0_i32_0 : i32, i32
  }
  func.func @transform_5(%arg0: i32) -> (i32, i32) {
    %c0_i32 = arith.constant 0 : i32
    %c0_i32_0 = arith.constant 0 : i32
    return %arg0, %c0_i32 : i32, i32
  }
}

</mosaic_0001>

<sc_bundles>
// kernel: kernel.4.cloned.1.call-start
scs
__scs_entry_jumppad:
0x0: {  	(pc) =	sbr.rel $0x88, $3  }
0x1: {  	(tag) =	ssettag $0x0;
	lr =	simm.s32 $0x1  }
0x2: {  	[smem:$0x3F9D] =	sst lr;
	_ =	strace $0xD0000000  }
0x3: {  	_ = 	snop  }
0x4: {  	_ = 	snop  }
0x5: {  	_ = 	snop  }
0x6: {  	_ = 	snop  }
0x7: {  	_ = 	snop  }
__scs_overlays_trampoline_lowered:
0x8: {  	[smem:$0x3FAC] =	sst s0  }
0x9: {  	[smem:$0x3FAD] =	sst s1  }
0xa: {  	[smem:$0x3FAE] =	sst s2  }
0xb: {  	[smem:$0x3FAF] =	sst s3  }
0xc: {  	[smem:$0x3FB0] =	sst s4  }
0xd: {  	[smem:$0x3FB1] =	sst s5  }
0xe: {  	[smem:$0x3FB2] =	sst s6  }
0xf: {  	[smem:$0x3FB3] =	sst s7  }
0x10: {  	[smem:$0x3FB4] =	sst s8  }
0x11: {  	[smem:$0x3FB5] =	sst s9;
	s0 =	simm.s32 @!p0 $0x0  }
0x12: {  	s1 =	sld [smem:$0x3F9B];
	s0 =	simm.s32 @p0 $0x1  }
0x13: {  	[smem:$0x3FB6] =	sst s0;
	s0 =	simm.s32 @!p1 $0x0  }
0x14: {  	s2 =	sld [smem:$0x3F9A];
	s0 =	simm.s32 @p1 $0x1  }
0x15: {  	[smem:$0x3FB7] =	sst s0;
	s0 =	simm.s32 @!p2 $0x0  }
0x16: {  	s3 =	sld [smem:$0x3FDB];
	s0 =	simm.s32 @p2 $0x1  }
0x17: {  	s4 =	simm.s32 $0x1BF5;
	[smem:$0x3FB9] =	sst s0  }
0x18: {  	s0 =	sld [smem:$0x3F9C];
	_ =	swait.ge [sflag:s4], $0x0  }
0x19: {  	s7 =	sld [smem:$0x3F9D]  }
0x1a: {  	s8 =	sadd.s32 $0xFFFFE003, lr  }
0x1b: {  	s9 =	sadd.s32 $0xFFFFFEF7, lr;
	s5 =	simm.s32 $0xFFFFFFFF;
	p2 =	slt.u32 s8, $0xFFFFF086  }
0x1c: {  	p1 =	slt.u32 s9, $0xF7A;
	s5 =	simm.s32 @!p2 $0x0  }
0x1d: {  	s5 =	simm.s32 @p1 $0x1;
	p0 =	seq.s32 s7, s2  }
0x1e: {  	s7 =	smul.u32 @!p0 $0xF7A, s2;
	p2 =	seq.s32 @!p0 s5, $0x0  }
0x1f: {  	s9 =	smul.u32 $0xF7A, s1;
	s8 =	simm.s32 @!p0 $0x1BF5;
	p2 =	por !p2, p0  }
0x20: {  	[sflag:s8] =	ssyncset.s32 @!p0 $0xFFFFF086;
	s6 =	sadd.s32 @!p0 s3, s7;
	s7 =	simm.s32 @!p0 $0x108  }
0x21: {  	s3 =	sadd.s32 s3, s9;
	s6 =	sadd.s32 @!p0 $0x88, s6;
	s7 =	simm.s32 @p2 $0x1082  }
0x22: {  	[simem:s7], [sflag:s8] =	dma.local @!p0 [hbm:s6], $0xF7A  }
0x23: {  	s9 =	sor.u32 $0xD0000000, s2;
	s6 =	simm.s32 $0x108;
	_ =	swait.ge @!p0 [sflag:s8], $0x0  }
0x24: {  	s3 =	sadd.s32 $0x88, s3;
	s6 =	simm.s32 @!p1 $0x1082;
	[sflag:s4] =	ssyncset.s32 $0xFFFFF086  }
0x25: {  	[simem:s6], [sflag:s4] =	dma.local [hbm:s3], $0xF7A  }
0x26: {  	[smem:$0x3F9D] =	sst s1;
	(tag) =	ssettag s2;
	_ =	strace s9  }
0x27: {  	s1 =	sld [smem:$0x3FAD]  }
0x28: {  	s2 =	sld [smem:$0x3FAE]  }
0x29: {  	s4 =	sld [smem:$0x3FB0]  }
0x2a: {  	p0 =	seq.s32 s5, $0x0;
	s5 =	sld [smem:$0x3FB1]  }
0x2b: {  	s6 =	sld [smem:$0x3FB2]  }
0x2c: {  	s7 =	sld [smem:$0x3FB3]  }
0x2d: {  	s3 =	simm.s32 $0x108;
	s8 =	sld [smem:$0x3FB4]  }
0x2e: {  	s3 =	simm.s32 @!p0 $0x1082;
	s9 =	sld [smem:$0x3FB5]  }
0x2f: {  	lr =	sadd.s32 s0, s3;
	s0 =	sld [smem:$0x3FAC]  }
0x30: {  	s3 =	sld [smem:$0x3FAF]  }
0x31: {  	[smem:$0x3FB8] =	sst s10  }
0x32: {  	s10 =	sld [smem:$0x3FB6];
	_ =	sdelay $0x3  }
0x33: {  	p0 =	seq.s32 s10, $0x1;
	s10 =	sld [smem:$0x3FB8];
	_ =	sdelay $0x3  }
0x34: {  	[smem:$0x3FB8] =	sst s10  }
0x35: {  	s10 =	sld [smem:$0x3FB7];
	_ =	sdelay $0x3  }
0x36: {  	p1 =	seq.s32 s10, $0x1;
	s10 =	sld [smem:$0x3FB8];
	_ =	sdelay $0x3  }
0x37: {  	[smem:$0x3FB8] =	sst s10  }
0x38: {  	s10 =	sld [smem:$0x3FB9]  }
0x39: {  	_ = 	snop;
	(pc) =	sbr.ind lr, $3  }
0x3a: {  	_ = 	snop  }
0x3b: {  	_ = 	snop  }
0x3c: {  	p2 =	seq.s32 s10, $0x1;
	s10 =	sld [smem:$0x3FB8]  }
0x3d: {  	_ =	shalt  }
0x3e: {  	_ =	shalt  }
0x3f: {  	_ =	shalt  }
0x40: {  	_ =	shalt  }
0x41: {  	_ =	shalt  }
0x42: {  	_ =	shalt  }
0x43: {  	_ =	shalt  }
0x44: {  	_ =	shalt  }
0x45: {  	_ =	shalt  }
0x46: {  	_ =	shalt  }
0x47: {  	_ =	shalt  }
0x48: {  	_ =	shalt  }
0x49: {  	_ =	shalt  }
0x4a: {  	_ =	shalt  }
0x4b: {  	_ =	shalt  }
0x4c: {  	_ =	shalt  }
0x4d: {  	_ =	shalt  }
0x4e: {  	_ =	shalt  }
0x4f: {  	_ =	shalt  }
0x50: {  	_ =	shalt  }
0x51: {  	_ =	shalt  }
0x52: {  	_ =	shalt  }
0x53: {  	_ =	shalt  }
0x54: {  	_ =	shalt  }
0x55: {  	_ =	shalt  }
0x56: {  	_ =	shalt  }
0x57: {  	_ =	shalt  }
0x58: {  	_ =	shalt  }
0x59: {  	_ =	shalt  }
0x5a: {  	_ =	shalt  }
0x5b: {  	_ =	shalt  }
0x5c: {  	_ =	shalt  }
0x5d: {  	_ =	shalt  }
0x5e: {  	_ =	shalt  }
0x5f: {  	_ =	shalt  }
0x60: {  	_ =	shalt  }
0x61: {  	_ =	shalt  }
0x62: {  	_ =	shalt  }
0x63: {  	_ =	shalt  }
0x64: {  	_ =	shalt  }
0x65: {  	_ =	shalt  }
0x66: {  	_ =	shalt  }
0x67: {  	_ =	shalt  }
0x68: {  	_ =	shalt  }
0x69: {  	_ =	shalt  }
0x6a: {  	_ =	shalt  }
0x6b: {  	_ =	shalt  }
0x6c: {  	_ =	shalt  }
0x6d: {  	_ =	shalt  }
0x6e: {  	_ =	shalt  }
0x6f: {  	_ =	shalt  }
0x70: {  	_ =	shalt  }
0x71: {  	_ =	shalt  }
0x72: {  	_ =	shalt  }
0x73: {  	_ =	shalt  }
0x74: {  	_ =	shalt  }
0x75: {  	_ =	shalt  }
0x76: {  	_ =	shalt  }
0x77: {  	_ =	shalt  }
0x78: {  	_ =	shalt  }
0x79: {  	_ =	shalt  }
0x7a: {  	_ =	shalt  }
0x7b: {  	_ =	shalt  }
0x7c: {  	_ =	shalt  }
0x7d: {  	_ =	shalt  }
0x7e: {  	_ =	shalt  }
0x7f: {  	_ =	shalt  }
0x80: {  	_ =	shalt  }
0x81: {  	_ =	shalt  }
0x82: {  	_ =	shalt  }
0x83: {  	_ =	shalt  }
0x84: {  	_ =	shalt  }
0x85: {  	_ =	shalt  }
0x86: {  	_ =	shalt  }
0x87: {  	_ =	shalt  }
.Lfunc_end0:
.L_simem_size_0:
called_computation_lowered:
.L_overlay_start_0:
0x88: {  	s2 =	sld [smem:$0x3FD9]  }
0x89: {  	s3 =	sld [smem:$0x3FFE];
	_ =	sdelay $0x1  }
0x8a: {  	s1 =	srdreg.scid  }
0x8b: {  	s0 =	sand.u32 $0x1, s1  }
0x8c: {  	s17 =	sshll.u32 s0, $0xA;
	s2 =	sadd.s32 s3, s2  }
0x8d: {  	s2 =	sadd.s32 s2, s17  }
0x8e: {  	[smem:$0x3FC4] =	sst s2  }
0x8f: {  	_ = 	snop  }
0x90: {  	s2 =	sld [smem:$0x3FC9]  }
0x91: {  	s18 =	sld [smem:$0x3FD0];
	(tm) =	ssettm $0x1  }
0x92: {  	s4 =	sld [smem:$0x3FFB];
	_ =	sdelay $0x3  }
0x93: {  	_ =	strace s4  }
0x94: {  	s4 =	sld [smem:$0x3FFC];
	_ =	sdelay $0x3  }
0x95: {  	_ =	strace s4  }
0x96: {  	s4 =	sld [smem:$0x3FFD];
	_ =	sdelay $0x3  }
0x97: {  	_ =	strace s4  }
0x98: {  	_ =	strace $0x8FFFFFFF  }
0x99: {  	s19 =	sld [smem:$0x3FDB];
	_ =	sdelay $0x1  }
0x9a: {  	s5 =	simm.s32 $_scs_section_size  }
0x9b: {  	s6 =	simm.s32 $_size__tile_overlayer_lowered;
	s7 =	simm.s32 $_tile_overlayer_lowered  }
0x9c: {  	s22 =	simm.s32 $0x1BFF;
	s21 =	sshll.u32 s7, $0x1;
	s4 =	sadd.s32 s5, s19  }
0x9d: {  	s8 =	simm.s32 $0x0;
	s20 =	sshll.u32 s6, $0x1;
	s6 =	sadd.s32 s21, s4  }
0x9e: {  	[timem:s8], [sflag:s22] =	dma.local [hbm:s6], s20  }
0x9f: {  	_ =	swait.ge [sflag:s22], s20  }
0xa0: {  	s5 =	ssub.s32 $0x0, s20;
	[sflag:s22] =	ssyncset.done $0x0  }
0xa1: {  	[sflag:s22] =	ssyncadd.s32 s5;
	_ =	sdelay $0x1  }
0xa2: {  	s23 =	simm.s32 $0x1B8B  }
0xa3: {  	_ =	swait.ge [sflag:s23], $0x1  }
0xa4: {  	[sflag:s23] =	ssyncset.done $0x0  }
0xa5: {  	s25 =	simm.s32 $0x1B8E;
	s24 =	sld [smem:$0x3FFE];
	[sflag:s23] =	ssyncadd.s32 $0xFFFFFFFF  }
0xa6: {  	s26 =	simm.s32 $execute0_lowered;
	[smem:$0x3FD2] =	sst s25  }
0xa7: {  	s6 =	sshll.u32 s26, $0x1;
	_ =	strace $0x80000046;
	[dreg:$0x1] =	wrdreg $0xFFFFFFFF  }
0xa8: {  	s28 =	simm.s32 $_size_execute0_lowered;
	s4 =	sadd.s32 s4, s6;
	[dreg:$0x0] =	wrdreg $0x0  }
0xa9: {  	s6 =	sshll.u32 s28, $0x1;
	[dreg:$0x2] =	wrdreg s4  }
0xaa: {  	[dreg:$0x3] =	wrdreg s6  }
0xab: {  	[dreg:$0x4] =	wrdreg $0xC0  }
0xac: {  	_ =	task [dreg:s8], $0x5FFFF  }
0xad: {  	[dreg:$0x1] =	wrdreg $0xFFFFFFFF  }
0xae: {  	[dreg:$0x0] =	wrdreg $0x60  }
0xaf: {  	[dreg:$0x2] =	wrdreg s2  }
0xb0: {  	[dreg:$0x3] =	wrdreg s18  }
0xb1: {  	[dreg:$0x4] =	wrdreg s24  }
0xb2: {  	[dreg:$0x5] =	wrdreg $0x90000  }
0xb3: {  	[dreg:$0x6] =	wrdreg $0x9  }
0xb4: {  	_ =	task.clear_ibuf [dreg:s8], $0x7FFFF;
	_ =	strace $0x90000046  }
0xb5: {  	s29 =	simm.s32 $0x9;
	_ =	strace $0x80000048  }
0xb6: {  	_ =	swait.ge [sflag:s29], $0x1  }
0xb7: {  	[sflag:s29] =	ssyncadd.s32 $0xFFFFFFFF  }
0xb8: {  	_ =	strace $0x90000048  }
0xb9: {  	_ =	sfence  }
0xba: {  	s30 =	sld [smem:$0x0];
	_ =	sdelay $0x2  }
0xbb: {  	s31 =	sshll.u32 s1, $0xD;
	s1 =	sshrl.u32 s1, $0x2  }
0xbc: {  	s3 =	sand.u32 $0x4000, s31;
	s1 =	sadd.s32 s1, s30  }
0xbd: {  	s0 =	sor.u32 s3, s0;
	s1 =	sshll.u32 s1, $0x11  }
0xbe: {  	s0 =	sor.u32 s1, s0  }
0xbf: {  	s0 =	sadd.s32 $0x8F2B, s0  }
0xc0: {  	[sflag:s0] =	ssyncadd.remote.s32 $0x1  }
0xc1: {  	_ =	sfence.sel $0xFFFF  }
0xc2: {  	[dreg:$0x0] =	wrdreg $0xFFFFFFFF;
	(pc) =	sbr.abs _section_cstart, $3  }
0xc3: {  	[dreg:$0x1] =	wrdreg $0xFFFFFFFF  }
0xc4: {  	_ =	task.clear_ibuf [dreg:s8], $0x2FFFF;
	_ =	strace $0x9FFFFFFF  }
0xc5: {  	(tm) =	ssettm $0x7FFFFFFF  }
tec
execute0_lowered:
.L_overlay_start_1:
0x0: {  	(tag) =	ssettag $0x1  }
0x1: {  	s0 =	rddreg [dreg:$0x0]  }
0x2: {  	s10 =	rddreg [dreg:$0x1]  }
0x3: {  	s1 =	srdreg.scid;
	s6 =	rddreg [dreg:$0x2]  }
0x4: {  	s3 =	rddreg [dreg:$0x3];
	s5 =	sand.u32 $0x1, s1  }
0x5: {  	s1 =	stileid.u32;
	s7 =	smul.u32 $0x28000, s5  }
0x6: {  	s2 =	rddreg [dreg:$0x4];
	s8 =	smul.u32 $0x2800, s1  }
0x7: {  	s4 =	simm.s32 $0x0;
	s15 =	simm.s32 $0x2;
	s9 =	smul.u32 $0x140000, s5  }
0x8: {  	s16 =	simm.s32 $0x2800;
	s17 =	simm.s32 $0x80;
	s25 =	smul.u32 $0x14000, s1  }
0x9: {  	s18 =	simm.s32 $0x1;
	[smem:$0x7FF] =	sst s4;
	s26 =	smul.u32 $0x50000, s1  }
0xa: {  	_ =	strace $0x80000047;
	s28 =	ssub.s32 $0x2, s5;
	s19 =	sshll.u32 s1, $0x6  }
0xb: {  	s31 =	sshrl.u32 s28, $0x1;
	s19 =	sor.u32 $0x1C02, s19;
	s7 =	sadd.s32 s8, s7  }
0xc: {  	s8 =	sadd.s32 s25, s9;
	s29 =	sshrl.u32 s26, $0x2;
	s14 =	ssub.s32 s28, s31  }
0xd: {  	s11 =	sshrl.u32 s7, $0x3;
	s30 =	sshrl.u32 s8, $0x3;
	s5 =	sadd.s32 s29, s3  }
0xe: {  	s12 =	sadd.s32 s11, s6;
	s13 =	sadd.s32 s30, s6;
	s6 =	sadd.s32 $0x4000, s5  }
0xf: {  	s7 =	sadd.s32 $0x8000, s5;
	s8 =	sadd.s32 $0xC000, s5;
	s9 =	sadd.s32 $0x10000, s5  }
0x10: {  	s10 =	sadd.s32 s10, s11;
	s20 =	sshrl.u32 s5, $0x3;
	s11 =	sadd.s32 $0xA00, s12  }
0x11: {  	v0 =	vimm.f32 $0.0e+00;
	s12 =	sadd.s32 $0xAA00, s13;
	s13 =	smax.u32 s14, $0x1;
	s14 =	simm.s32 $0x5000  }
.LBB2_1:
0x12: {  	s21 =	simm.s32 $0x0;
	s22 =	simm.s32 $0x200  }
.LBB2_2:
0x13: {  	p0 =	sne.s32 s22, $0xFE00;
	[tilespmem:s21+$0x5070] =	vst v0  }
0x14: {  	[tilespmem:s21+$0x5000] =	vst v0  }
0x15: {  	[tilespmem:s21+$0x5010] =	vst v0  }
.Ltmp0:
0x16: {  	[tilespmem:s21+$0x5020] =	vst v0;
	(pc) =	sbr.rel @p0 .LBB2_2-.Ltmp0, $4  }
0x17: {  	[tilespmem:s21+$0x5030] =	vst v0  }
0x18: {  	[tilespmem:s21+$0x5040] =	vst v0  }
0x19: {  	[tilespmem:s21+$0x5050] =	vst v0  }
0x1a: {  	[tilespmem:s21+$0x5060] =	vst v0;
	s21 =	sshra.s32 s22, $0x2;
	s22 =	sadd.s32 $0x200, s22  }
0x1b: {  	[tilespmem:s21+$0x5070] =	vst v0  }
0x1c: {  	[tilespmem:s21+$0x5000] =	vst v0  }
0x1d: {  	[tilespmem:s21+$0x5010] =	vst v0  }
0x1e: {  	[tilespmem:s21+$0x5020] =	vst v0  }
0x1f: {  	[tilespmem:s21+$0x5030] =	vst v0  }
0x20: {  	[tilespmem:s21+$0x5040] =	vst v0  }
0x21: {  	[tilespmem:s21+$0x5050] =	vst v0  }
0x22: {  	[tilespmem:s21+$0x5060] =	vst v0  }
0x23: {  	[spmem:s5] =	stream.linear.scatter [tilespmem:s14], [sflag:$0x2], $0x4000, $0x38;
	[tilespmem:$0x1D000] =	vst v63  }
0x24: {  	_ =	swait.ge [sflag:s15], $0x4000  }
0x25: {  	[sflag:s15] =	ssyncset.done $0x0  }
0x26: {  	[sflag:s15] =	ssyncadd.s32 $0xFFFFC000  }
0x27: {  	[spmem:s6] =	stream.linear.scatter [tilespmem:s14], [sflag:$0x2], $0x4000, $0x38;
	[tilespmem:$0x1D000] =	vst v63  }
0x28: {  	_ =	swait.ge [sflag:s15], $0x4000  }
0x29: {  	[sflag:s15] =	ssyncset.done $0x0  }
0x2a: {  	[sflag:s15] =	ssyncadd.s32 $0xFFFFC000  }
0x2b: {  	[spmem:s7] =	stream.linear.scatter [tilespmem:s14], [sflag:$0x2], $0x4000, $0x38;
	[tilespmem:$0x1D000] =	vst v63  }
0x2c: {  	_ =	swait.ge [sflag:s15], $0x4000  }
0x2d: {  	[sflag:s15] =	ssyncset.done $0x0  }
0x2e: {  	[sflag:s15] =	ssyncadd.s32 $0xFFFFC000  }
0x2f: {  	[spmem:s8] =	stream.linear.scatter [tilespmem:s14], [sflag:$0x2], $0x4000, $0x38;
	[tilespmem:$0x1D000] =	vst v63  }
0x30: {  	_ =	swait.ge [sflag:s15], $0x4000  }
0x31: {  	[sflag:s15] =	ssyncset.done $0x0  }
0x32: {  	[sflag:s15] =	ssyncadd.s32 $0xFFFFC000  }
0x33: {  	[spmem:s9] =	stream.linear.scatter [tilespmem:s14], [sflag:$0x2], $0x4000, $0x38;
	[tilespmem:$0x1D000] =	vst v63  }
0x34: {  	_ =	swait.ge [sflag:s15], $0x4000  }
0x35: {  	[sflag:s15] =	ssyncset.done $0x0  }
0x36: {  	s29 =	simm.s32 $0x0;
	[sflag:s15] =	ssyncadd.s32 $0xFFFFC000  }
0x37: {  	[tilespmem:s29], [sflag:$0x2] =	stream.linear.gather [hbm4b:s10+s29], $0x2780, $0x38;
	[tilespmem:$0x1D000] =	vst v63  }
0x38: {  	_ =	swait.ge [sflag:s15], $0x2780  }
0x39: {  	[sflag:s15] =	ssyncset.done $0x0  }
0x3a: {  	[sflag:s15] =	ssyncadd.s32 $0xFFFFD880  }
0x3b: {  	[tilespmem:s16], [sflag:$0x2] =	stream.linear.gather [hbm4b:s11+s29], $0x2780, $0x38;
	[tilespmem:$0x1D000] =	vst v63  }
0x3c: {  	_ =	swait.ge [sflag:s15], $0x2780  }
0x3d: {  	[sflag:s15] =	ssyncset.done $0x0  }
0x3e: {  	[sflag:s15] =	ssyncadd.s32 $0xFFFFD880  }
0x3f: {  	s30 =	simm.s32 $0x0;
	[bflag:$0x0] =	sbarrier.arrive $0xFFFF  }
0x40: {  	[tilespmem:s14], [sflag:$0x1] =	stream.indirect.gather [hbm4b:s0+s17], $0x80, s30, s17, $0xb8;
	[tilespmem:$0x1D000] =	vst v63  }
0x41: {  	_ =	swait.ge [sflag:s18], $0x4000  }
0x42: {  	[sflag:s18] =	ssyncset.done $0x0  }
0x43: {  	s31 =	simm.s32 $0x2800;
	[sflag:s18] =	ssyncadd.s32 $0xFFFFC000  }
0x44: {  	[spmem:s3] =	stream.indirect.scatter.add.f32 [tilespmem:s14], [sflag:$0x2], $0x80, s31, s17, $0xb8;
	[tilespmem:$0x1D000] =	vst v63  }
0x45: {  	_ =	swait.ge [sflag:s15], $0x4000  }
0x46: {  	s21 =	simm.s32 $0x200;
	s22 =	simm.s32 $0x400;
	[sflag:s15] =	ssyncset.done $0x0  }
.LBB2_4:
0x47: {  	s23 =	sshra.s32 s21, $0x2  }
0x48: {  	[sflag:s15] =	ssyncadd.s32 $0xFFFFC000;
	s21 =	smov.u32 s22;
	s24 =	sadd.s32 $0x200, s22  }
0x49: {  	[tilespmem:s14], [sflag:$0x1] =	stream.indirect.gather [hbm4b:s0+s17], $0x80, s23, s17, $0xb8;
	[tilespmem:$0x1D000] =	vst v63  }
0x4a: {  	p0 =	sne.s32 s22, $0x9C00;
	_ =	swait.ge [sflag:s18], $0x4000  }
.Ltmp1:
0x4b: {  	[sflag:s18] =	ssyncset.done $0x0;
	(pc) =	sbr.rel @p0 .LBB2_4-.Ltmp1, $4  }
0x4c: {  	s22 =	sadd.s32 $0x2800, s23;
	[sflag:s18] =	ssyncadd.s32 $0xFFFFC000  }
0x4d: {  	[spmem:s3] =	stream.indirect.scatter.add.f32 [tilespmem:s14], [sflag:$0x2], $0x80, s22, s17, $0xb8;
	[tilespmem:$0x1D000] =	vst v63  }
0x4e: {  	_ =	swait.ge [sflag:s15], $0x4000  }
0x4f: {  	s22 =	smov.u32 s24;
	[sflag:s15] =	ssyncset.done $0x0  }
0x50: {  	s21 =	sshra.s32 s21, $0x2;
	[sflag:s15] =	ssyncadd.s32 $0xFFFFC000  }
0x51: {  	[tilespmem:s14], [sflag:$0x1] =	stream.indirect.gather [hbm4b:s0+s17], $0x80, s21, s17, $0xb8;
	[tilespmem:$0x1D000] =	vst v63  }
0x52: {  	_ =	swait.ge [sflag:s18], $0x4000  }
0x53: {  	[sflag:s18] =	ssyncset.done $0x0  }
0x54: {  	s21 =	sadd.s32 $0x2800, s21;
	[sflag:s18] =	ssyncadd.s32 $0xFFFFC000  }
0x55: {  	[spmem:s3] =	stream.indirect.scatter.add.f32 [tilespmem:s14], [sflag:$0x2], $0x80, s21, s17, $0xb8;
	[tilespmem:$0x1D000] =	vst v63  }
0x56: {  	_ =	swait.ge [sflag:s15], $0x4000  }
0x57: {  	s4 =	sadd.s32 $0x1, s4;
	[sflag:s15] =	ssyncset.done $0x0  }
0x58: {  	p0 =	sne.s32 s4, s13;
	[sflag:s15] =	ssyncadd.s32 $0xFFFFC000  }
.Ltmp2:
0x59: {  	[bflag:$0x0] =	sbarrier.arrive $0xFFFF;
	(pc) =	sbr.rel @p0 .LBB2_1-.Ltmp2, $4  }
0x5a: {  	[hbm:s12], [sflag:s19] =	dma.local [spmem:s20], $0x2800  }
0x5b: {  	_ =	swait.ge [sflag:s15], $0x2800  }
0x5c: {  	[sflag:s15] =	ssyncset.done $0x0  }
0x5d: {  	[sflag:s15] =	ssyncadd.s32 $0xFFFFD800  }
0x5e: {  	_ =	sfence.sel $0x180000  }
0x5f: {  	[bflag:$0x0] =	sbarrier.arrive $0xFFFF  }
0x60: {  	p0 =	sne.s32 s1, $0x0;
	_ =	strace $0x90000047  }
0x61: {  	s0 =	sadd.s32 @!p0 $0x100000, s2;
	[bflag:$0x2] =	sbarrier.arrive $0xFFFF  }
0x62: {  	[sflag:s0] =	ssyncadd.tile.s32 @!p0 $0x1;
	_ =	shalt  }
.Lfunc_end2:
_tile_overlayer_lowered:
.L_overlay_start_2:
0x63: {  	(tag) =	ssettag $0x2  }
0x64: {  	s0 =	rddreg [dreg:$0x0];
	s2 =	stileid.u32  }
0x65: {  	s1 =	rddreg [dreg:$0x1];
	p0 =	sne.s32 s2, $0x0  }
0x66: {  	s3 =	rddreg [dreg:$0x2];
	[bflag:$0x3] =	sbarrier.arrive $0xFFFF;
	s2 =	simm.s32 @!p0 $0x1C02  }
0x67: {  	[timem:s3], [sflag:s2] =	dma.local @!p0 [hbm:s0], s1  }
0x68: {  	s0 =	simm.s32 @!p0 $0x2  }
0x69: {  	_ =	swait.ge @!p0 [sflag:s0], s1  }
0x6a: {  	s1 =	ssub.s32 @!p0 $0x0, s1;
	[sflag:s0] =	ssyncset.done @!p0 $0x0  }
0x6b: {  	[sflag:s0] =	ssyncadd.s32 @!p0 s1  }
0x6c: {  	[bflag:$0x3] =	sbarrier.arrive $0xFFFF  }
0x6d: {  	_ =	shalt  }

</sc_bundles>
